<compile_context>
chip_gen: v7x
topology: tpu7x:2x2x1
jax: 0.10.2.dev20260603
libtpu: 0.0.44.dev20260713+nightly
codegen_flags: <defaults>
</compile_context>

<pallas_src>
import functools

import jax
import jax.numpy as jnp
from jax import lax
from jax.experimental import pallas as pl
from jax.experimental.pallas import tpu as pltpu
from jax.experimental.pallas import tpu_sc as plsc

_BOUNDS = (-2.0, -1.5, -1.0, -0.5, 0.0, 0.5, 1.0, 1.5, 2.0)

_ROWS, _COLS = 16384, 26
_NC, _NS, _L = 2, 16, 16
_NW = _NC * _NS
_SC_ROWS = 8
_TC_ROWS = _COLS - _SC_ROWS
_SEG_W = _NW // _SC_ROWS
_SEG = _ROWS // _SEG_W
_VECS = _SEG // _L

_mesh = plsc.VectorSubcoreMesh(core_axis_name="c", subcore_axis_name="s")


@functools.partial(
    pl.kernel,
    mesh=_mesh,
    out_type=jax.ShapeDtypeStruct((_SC_ROWS, _ROWS), jnp.int32),
    scratch_types=[
        pltpu.VMEM((_SEG,), jnp.float32),
        pltpu.VMEM((_SEG,), jnp.int32),
    ],
    compiler_params=pltpu.CompilerParams(use_tc_tiling_on_sc=True),
)
def _bucketize_sc(x_hbm, out_hbm, x_v, o_v):
    wid = lax.axis_index("s") * _NC + lax.axis_index("c")
    row = wid // _SEG_W
    c0 = (wid % _SEG_W) * _SEG
    pltpu.sync_copy(x_hbm.at[row, pl.ds(c0, _SEG)], x_v)

    bvecs = [jnp.full((_L,), b, jnp.float32) for b in _BOUNDS]
    one = jnp.ones((_L,), jnp.int32)
    zero = jnp.zeros((_L,), jnp.int32)

    def bucketize(x):
        acc = zero
        for bv in bvecs:
            acc = acc + jnp.where(x > bv, one, zero)
        return acc

    @plsc.parallel_loop(0, _VECS, step=1, unroll=4)
    def body(v):
        base = v * _L
        o_v[pl.ds(base, _L)] = bucketize(x_v[pl.ds(base, _L)])

    pltpu.sync_copy(o_v, out_hbm.at[row, pl.ds(c0, _SEG)])


def _bucketize_tc_body(x_ref, o_ref):
    x = x_ref[...]
    acc = jnp.zeros(x.shape, jnp.int32)
    one = jnp.ones(x.shape, jnp.int32)
    for b in _BOUNDS:
        acc = acc + jnp.where(x > b, one, 0)
    o_ref[...] = acc


_TC_BLK = 8
_bucketize_tc = pl.pallas_call(
    _bucketize_tc_body,
    out_shape=jax.ShapeDtypeStruct((_TC_ROWS, _ROWS), jnp.int32),
    grid=((_TC_ROWS + _TC_BLK - 1) // _TC_BLK,),
    in_specs=[pl.BlockSpec((_TC_BLK, _ROWS), lambda i: (i + _SC_ROWS // _TC_BLK, 0))],
    out_specs=pl.BlockSpec((_TC_BLK, _ROWS), lambda i: (i, 0)),
)


def kernel(inputs):
    xt = inputs.T
    y_sc = _bucketize_sc(xt)
    y_tc = _bucketize_tc(xt)
    return jnp.concatenate([y_sc, y_tc], axis=0).T

# --- scband reference (transcript-rebuilt; emitter-appended) ---
"""Pipeline reference for scband-categorization-layer-63324997812577 (READ-ONLY COPY).

The authoritative reference and input builder live on the scoring server;
editing this copy changes nothing except your own understanding.
"""

import jax, jax.numpy as jnp
import numpy as np

_BOUNDS = np.array([-2.0, -1.5, -1.0, -0.5, 0.0, 0.5, 1.0, 1.5, 2.0], dtype=np.float32)
BINS = [_BOUNDS.copy() for _ in range(26)]


def setup_inputs(seed: int = 0) -> dict:
    key = jax.random.key(seed)
    inputs = jax.random.normal(key, (16384, 26), dtype=jnp.float32)
    return {"inputs": inputs}


def reference(inputs):
    # Faithful translation of CategorizationLayer.forward:
    # per-column torch.bucketize (right=False) == searchsorted side='left'
    inputs_bin = []
    for i in range(inputs.shape[-1]):
        if len(BINS[i]) > 0:
            bins = jnp.asarray(BINS[i])
            col = inputs[..., i:i + 1]
            idx = jnp.searchsorted(bins, col, side='left').astype(jnp.int64)
            inputs_bin.append(idx)
        else:
            inputs_bin.append(inputs[..., i:i + 1])
    out = jnp.concatenate(inputs_bin, axis=-1)
    return out

if __name__ == "__main__":
    import jax
    _d = setup_inputs()
    print(jax.jit(kernel)(*tuple(_d.values())))

</pallas_src>

<mosaic_0001>
#map = affine_map<(d0, d1) -> (0, 0)>
module attributes {stable_mosaic.version = 14 : i64} {
  func.func @_bucketize_sc(%arg0: i32, %arg1: i32, %arg2: memref<26x16384xf32, #tpu.memory_space<hbm>>, %arg3: memref<8x16384xi32, #tpu.memory_space<hbm>>, %arg4: memref<4096xf32, #tpu.memory_space<vmem>>, %arg5: memref<4096xi32, #tpu.memory_space<vmem>>) attributes {dimension_semantics = [#tpu.dimension_semantics<core_parallel>, #tpu.dimension_semantics<subcore_parallel>], iteration_bounds = array<i64: 2, 16>, scalar_prefetch = 0 : i64, scratch_operands = 2 : i64, tpu.core_type = #tpu.core_type<sc_vector_subcore>, window_params = [{transform_indices = #map}, {transform_indices = #map}]} {
    %mul3A = arith.constant 2 : i32
    %mul3A_0 = arith.muli %arg1, %mul3A : i32
    %add3A = arith.addi %mul3A_0, %arg0 : i32
    %jit3A = arith.constant 4 : i32
    %div3A = arith.divsi %add3A, %jit3A : i32
    %sign3A = arith.constant 0 : i32
    %sign3A_1 = arith.cmpi sgt, %add3A, %sign3A : i32
    %sign3A_2 = arith.extui %sign3A_1 : i1 to i32
    %sign3A_3 = arith.constant 0 : i32
    %sign3A_4 = arith.cmpi slt, %add3A, %sign3A_3 : i32
    %sign3A_5 = arith.extui %sign3A_4 : i1 to i32
    %sign3A_6 = arith.subi %sign3A_2, %sign3A_5 : i32
    %sign3A_7 = arith.constant 0 : i32
    %sign3A_8 = arith.cmpi sgt, %jit3A, %sign3A_7 : i32
    %sign3A_9 = arith.extui %sign3A_8 : i1 to i32
    %sign3A_10 = arith.constant 0 : i32
    %sign3A_11 = arith.cmpi slt, %jit3A, %sign3A_10 : i32
    %sign3A_12 = arith.extui %sign3A_11 : i1 to i32
    %sign3A_13 = arith.subi %sign3A_9, %sign3A_12 : i32
    %ne3A = arith.cmpi ne, %sign3A_6, %sign3A_13 : i32
    %rem3A = arith.remsi %add3A, %jit3A : i32
    %ne3A_14 = arith.constant 0 : i32
    %ne3A_15 = arith.cmpi ne, %rem3A, %ne3A_14 : i32
    %and3A = arith.andi %ne3A, %ne3A_15 : i1
    %sub3A = arith.constant 1 : i32
    %sub3A_16 = arith.subi %div3A, %sub3A : i32
    %select_n3A = arith.select %and3A, %sub3A_16, %div3A : i32
    %jit3A_17 = arith.constant 4 : i32
    %eq3A = arith.constant 0 : i32
    %eq3A_18 = arith.cmpi eq, %jit3A_17, %eq3A : i32
    %jit3A_19 = arith.constant 1 : i32
    %select_n3A_20 = arith.select %eq3A_18, %jit3A_19, %jit3A_17 : i32
    %rem3A_21 = arith.remsi %add3A, %select_n3A_20 : i32
    %ne3A_22 = arith.constant 0 : i32
    %ne3A_23 = arith.cmpi ne, %rem3A_21, %ne3A_22 : i32
    %lt3A = arith.constant 0 : i32
    %lt3A_24 = arith.cmpi slt, %rem3A_21, %lt3A : i32
    %lt3A_25 = arith.constant 0 : i32
    %lt3A_26 = arith.cmpi slt, %select_n3A_20, %lt3A_25 : i32
    %ne3A_27 = arith.xori %lt3A_24, %lt3A_26 : i1
    %and3A_28 = arith.andi %ne3A_27, %ne3A_23 : i1
    %add3A_29 = arith.addi %rem3A_21, %select_n3A_20 : i32
    %select_n3A_30 = arith.select %and3A_28, %add3A_29, %rem3A_21 : i32
    %mul3A_31 = arith.constant 4096 : i32
    %mul3A_32 = arith.muli %select_n3A_30, %mul3A_31 : i32
    "tpu.region"() ({
      %run_scoped3A = tpu.sem_alloc : memref<!tpu.dma_semaphore, #tpu.memory_space<semaphore_mem>>
      %dma_start3A = tpu.memref_slice %arg2[%select_n3A, %mul3A_32] : memref<26x16384xf32, #tpu.memory_space<hbm>> -> memref<1x4096xf32, #tpu.memory_space<hbm>>
      %dma_start3A_56 = tpu.memref_squeeze %dma_start3A : memref<1x4096xf32, #tpu.memory_space<hbm>> -> memref<4096xf32, #tpu.memory_space<hbm>>
      %dma_start3A_57 = tpu.memref_slice %arg2[%select_n3A, %mul3A_32] : memref<26x16384xf32, #tpu.memory_space<hbm>> -> memref<1x4096xf32, #tpu.memory_space<hbm>>
      %dma_start3A_58 = tpu.memref_squeeze %dma_start3A_57 : memref<1x4096xf32, #tpu.memory_space<hbm>> -> memref<4096xf32, #tpu.memory_space<hbm>>
      tpu.enqueue_dma source(%dma_start3A_58 : memref<4096xf32, #tpu.memory_space<hbm>>) target(%arg4 : memref<4096xf32, #tpu.memory_space<vmem>>) target_semaphore(%run_scoped3A : memref<!tpu.dma_semaphore, #tpu.memory_space<semaphore_mem>>)
      %dma_wait3A = tpu.memref_slice %arg2[%select_n3A, %mul3A_32] : memref<26x16384xf32, #tpu.memory_space<hbm>> -> memref<1x4096xf32, #tpu.memory_space<hbm>>
      %dma_wait3A_59 = tpu.memref_squeeze %dma_wait3A : memref<1x4096xf32, #tpu.memory_space<hbm>> -> memref<4096xf32, #tpu.memory_space<hbm>>
      %dma_wait3A_60 = tpu.memref_slice %arg2[%select_n3A, %mul3A_32] : memref<26x16384xf32, #tpu.memory_space<hbm>> -> memref<1x4096xf32, #tpu.memory_space<hbm>>
      %dma_wait3A_61 = tpu.memref_squeeze %dma_wait3A_60 : memref<1x4096xf32, #tpu.memory_space<hbm>> -> memref<4096xf32, #tpu.memory_space<hbm>>
      tpu.wait_dma2 semaphore(%run_scoped3A : memref<!tpu.dma_semaphore, #tpu.memory_space<semaphore_mem>>) src(%dma_wait3A_61 : memref<4096xf32, #tpu.memory_space<hbm>>) dst(%arg4 : memref<4096xf32, #tpu.memory_space<vmem>>)
      tpu.yield
    }) : () -> ()
    %broadcast_in_dim3A = arith.constant -2.000000e+00 : f32
    %broadcast_in_dim3A_33 = vector.broadcast %broadcast_in_dim3A : f32 to vector<16xf32>
    %broadcast_in_dim3A_34 = arith.constant -1.500000e+00 : f32
    %broadcast_in_dim3A_35 = vector.broadcast %broadcast_in_dim3A_34 : f32 to vector<16xf32>
    %broadcast_in_dim3A_36 = arith.constant -1.000000e+00 : f32
    %broadcast_in_dim3A_37 = vector.broadcast %broadcast_in_dim3A_36 : f32 to vector<16xf32>
    %broadcast_in_dim3A_38 = arith.constant -5.000000e-01 : f32
    %broadcast_in_dim3A_39 = vector.broadcast %broadcast_in_dim3A_38 : f32 to vector<16xf32>
    %broadcast_in_dim3A_40 = arith.constant 0.000000e+00 : f32
    %broadcast_in_dim3A_41 = vector.broadcast %broadcast_in_dim3A_40 : f32 to vector<16xf32>
    %broadcast_in_dim3A_42 = arith.constant 5.000000e-01 : f32
    %broadcast_in_dim3A_43 = vector.broadcast %broadcast_in_dim3A_42 : f32 to vector<16xf32>
    %broadcast_in_dim3A_44 = arith.constant 1.000000e+00 : f32
    %broadcast_in_dim3A_45 = vector.broadcast %broadcast_in_dim3A_44 : f32 to vector<16xf32>
    %broadcast_in_dim3A_46 = arith.constant 1.500000e+00 : f32
    %broadcast_in_dim3A_47 = vector.broadcast %broadcast_in_dim3A_46 : f32 to vector<16xf32>
    %broadcast_in_dim3A_48 = arith.constant 2.000000e+00 : f32
    %broadcast_in_dim3A_49 = vector.broadcast %broadcast_in_dim3A_48 : f32 to vector<16xf32>
    %broadcast_in_dim3A_50 = arith.constant 1 : i32
    %broadcast_in_dim3A_51 = vector.broadcast %broadcast_in_dim3A_50 : i32 to vector<16xi32>
    %broadcast_in_dim3A_52 = arith.constant 0 : i32
    %broadcast_in_dim3A_53 = vector.broadcast %broadcast_in_dim3A_52 : i32 to vector<16xi32>
    %parallel_loop3A = arith.constant 0 : i32
    %parallel_loop3A_54 = arith.constant 256 : i32
    %parallel_loop3A_55 = arith.constant 1 : i32
    scf.for %parallel_loop3A_56 = %parallel_loop3A to %parallel_loop3A_54 step %parallel_loop3A_55  : i32 {
      %parallel_loop3A_57 = arith.constant 16 : i32
      %parallel_loop3A_58 = arith.muli %parallel_loop3A_56, %parallel_loop3A_57 : i32
      %parallel_loop3A_59 = arith.index_cast %parallel_loop3A_58 : i32 to index
      %parallel_loop3A_60 = tpu.vector_load %arg4[%parallel_loop3A_59] {strides = array<i32>} : memref<4096xf32, #tpu.memory_space<vmem>>, vector<16xf32>,
      %parallel_loop3A_61 = vector.shape_cast %parallel_loop3A_60 : vector<16xf32> to vector<16xf32>
      %parallel_loop3A_62 = arith.cmpf ogt, %parallel_loop3A_61, %broadcast_in_dim3A_33 : vector<16xf32>
      %parallel_loop3A_63 = arith.select %parallel_loop3A_62, %broadcast_in_dim3A_51, %broadcast_in_dim3A_53 : vector<16xi1>, vector<16xi32>
      %parallel_loop3A_64 = arith.addi %broadcast_in_dim3A_53, %parallel_loop3A_63 : vector<16xi32>
      %parallel_loop3A_65 = arith.cmpf ogt, %parallel_loop3A_61, %broadcast_in_dim3A_35 : vector<16xf32>
      %parallel_loop3A_66 = arith.select %parallel_loop3A_65, %broadcast_in_dim3A_51, %broadcast_in_dim3A_53 : vector<16xi1>, vector<16xi32>
      %parallel_loop3A_67 = arith.addi %parallel_loop3A_64, %parallel_loop3A_66 : vector<16xi32>
      %parallel_loop3A_68 = arith.cmpf ogt, %parallel_loop3A_61, %broadcast_in_dim3A_37 : vector<16xf32>
      %parallel_loop3A_69 = arith.select %parallel_loop3A_68, %broadcast_in_dim3A_51, %broadcast_in_dim3A_53 : vector<16xi1>, vector<16xi32>
      %parallel_loop3A_70 = arith.addi %parallel_loop3A_67, %parallel_loop3A_69 : vector<16xi32>
      %parallel_loop3A_71 = arith.cmpf ogt, %parallel_loop3A_61, %broadcast_in_dim3A_39 : vector<16xf32>
      %parallel_loop3A_72 = arith.select %parallel_loop3A_71, %broadcast_in_dim3A_51, %broadcast_in_dim3A_53 : vector<16xi1>, vector<16xi32>
      %parallel_loop3A_73 = arith.addi %parallel_loop3A_70, %parallel_loop3A_72 : vector<16xi32>
      %parallel_loop3A_74 = arith.cmpf ogt, %parallel_loop3A_61, %broadcast_in_dim3A_41 : vector<16xf32>
      %parallel_loop3A_75 = arith.select %parallel_loop3A_74, %broadcast_in_dim3A_51, %broadcast_in_dim3A_53 : vector<16xi1>, vector<16xi32>
      %parallel_loop3A_76 = arith.addi %parallel_loop3A_73, %parallel_loop3A_75 : vector<16xi32>
      %parallel_loop3A_77 = arith.cmpf ogt, %parallel_loop3A_61, %broadcast_in_dim3A_43 : vector<16xf32>
      %parallel_loop3A_78 = arith.select %parallel_loop3A_77, %broadcast_in_dim3A_51, %broadcast_in_dim3A_53 : vector<16xi1>, vector<16xi32>
      %parallel_loop3A_79 = arith.addi %parallel_loop3A_76, %parallel_loop3A_78 : vector<16xi32>
      %parallel_loop3A_80 = arith.cmpf ogt, %parallel_loop3A_61, %broadcast_in_dim3A_45 : vector<16xf32>
      %parallel_loop3A_81 = arith.select %parallel_loop3A_80, %broadcast_in_dim3A_51, %broadcast_in_dim3A_53 : vector<16xi1>, vector<16xi32>
      %parallel_loop3A_82 = arith.addi %parallel_loop3A_79, %parallel_loop3A_81 : vector<16xi32>
      %parallel_loop3A_83 = arith.cmpf ogt, %parallel_loop3A_61, %broadcast_in_dim3A_47 : vector<16xf32>
      %parallel_loop3A_84 = arith.select %parallel_loop3A_83, %broadcast_in_dim3A_51, %broadcast_in_dim3A_53 : vector<16xi1>, vector<16xi32>
      %parallel_loop3A_85 = arith.addi %parallel_loop3A_82, %parallel_loop3A_84 : vector<16xi32>
      %parallel_loop3A_86 = arith.cmpf ogt, %parallel_loop3A_61, %broadcast_in_dim3A_49 : vector<16xf32>
      %parallel_loop3A_87 = arith.select %parallel_loop3A_86, %broadcast_in_dim3A_51, %broadcast_in_dim3A_53 : vector<16xi1>, vector<16xi32>
      %parallel_loop3A_88 = arith.addi %parallel_loop3A_85, %parallel_loop3A_87 : vector<16xi32>
      %parallel_loop3A_89 = arith.index_cast %parallel_loop3A_58 : i32 to index
      %parallel_loop3A_90 = tpu.vector_load %arg5[%parallel_loop3A_89] {strides = array<i32>} : memref<4096xi32, #tpu.memory_space<vmem>>, vector<16xi32>,
      %parallel_loop3A_91 = vector.shape_cast %parallel_loop3A_90 : vector<16xi32> to vector<16xi32>
      %parallel_loop3A_92 = vector.shape_cast %parallel_loop3A_88 : vector<16xi32> to vector<16xi32>
      tpu.vector_store %arg5[%parallel_loop3A_89], %parallel_loop3A_92 {strides = array<i32>} : memref<4096xi32, #tpu.memory_space<vmem>>, vector<16xi32>,
    } {sc.loop_unroll_factor = 4 : i64, sc.parallel_access}
    "tpu.region"() ({
      %run_scoped3A = tpu.sem_alloc : memref<!tpu.dma_semaphore, #tpu.memory_space<semaphore_mem>>
      %dma_start3A = tpu.memref_slice %arg3[%select_n3A, %mul3A_32] : memref<8x16384xi32, #tpu.memory_space<hbm>> -> memref<1x4096xi32, #tpu.memory_space<hbm>>
      %dma_start3A_56 = tpu.memref_squeeze %dma_start3A : memref<1x4096xi32, #tpu.memory_space<hbm>> -> memref<4096xi32, #tpu.memory_space<hbm>>
      %dma_start3A_57 = tpu.memref_slice %arg3[%select_n3A, %mul3A_32] : memref<8x16384xi32, #tpu.memory_space<hbm>> -> memref<1x4096xi32, #tpu.memory_space<hbm>>
      %dma_start3A_58 = tpu.memref_squeeze %dma_start3A_57 : memref<1x4096xi32, #tpu.memory_space<hbm>> -> memref<4096xi32, #tpu.memory_space<hbm>>
      tpu.enqueue_dma source(%arg5 : memref<4096xi32, #tpu.memory_space<vmem>>) target(%dma_start3A_58 : memref<4096xi32, #tpu.memory_space<hbm>>) target_semaphore(%run_scoped3A : memref<!tpu.dma_semaphore, #tpu.memory_space<semaphore_mem>>)
      %dma_wait3A = tpu.memref_slice %arg3[%select_n3A, %mul3A_32] : memref<8x16384xi32, #tpu.memory_space<hbm>> -> memref<1x4096xi32, #tpu.memory_space<hbm>>
      %dma_wait3A_59 = tpu.memref_squeeze %dma_wait3A : memref<1x4096xi32, #tpu.memory_space<hbm>> -> memref<4096xi32, #tpu.memory_space<hbm>>
      %dma_wait3A_60 = tpu.memref_slice %arg3[%select_n3A, %mul3A_32] : memref<8x16384xi32, #tpu.memory_space<hbm>> -> memref<1x4096xi32, #tpu.memory_space<hbm>>
      %dma_wait3A_61 = tpu.memref_squeeze %dma_wait3A_60 : memref<1x4096xi32, #tpu.memory_space<hbm>> -> memref<4096xi32, #tpu.memory_space<hbm>>
      tpu.wait_dma2 semaphore(%run_scoped3A : memref<!tpu.dma_semaphore, #tpu.memory_space<semaphore_mem>>) src(%arg5 : memref<4096xi32, #tpu.memory_space<vmem>>) dst(%dma_wait3A_61 : memref<4096xi32, #tpu.memory_space<hbm>>)
      tpu.yield
    }) : () -> ()
    return
  }
}

module attributes {stable_mosaic.version = 14 : i64} {
  func.func @_bucketize_tc_body(%arg0: i32, %arg1: memref<8x16384xf32, #tpu.memory_space<vmem>>, %arg2: memref<8x16384xi32, #tpu.memory_space<vmem>>) attributes {dimension_semantics = [#tpu.dimension_semantics<arbitrary>], iteration_bounds = array<i64: 3>, scalar_prefetch = 0 : i64, scratch_operands = 0 : i64, tpu.core_type = #tpu.core_type<tc>, window_params = [{transform_indices = @transform_0, window_bounds = array<i64: 8, 16384>}, {transform_indices = @transform_1, window_bounds = array<i64: 8, 16384>}]} {
    %get3A = arith.constant 0 : index
    %get3A_0 = arith.constant 0 : index
    %get3A_1 = vector.load %arg1[%get3A, %get3A_0] : memref<8x16384xf32, #tpu.memory_space<vmem>>, vector<8x16384xf32>
    %broadcast_in_dim3A = arith.constant 0 : i32
    %broadcast_in_dim3A_2 = vector.broadcast %broadcast_in_dim3A : i32 to vector<8x16384xi32>
    %broadcast_in_dim3A_3 = arith.constant 1 : i32
    %broadcast_in_dim3A_4 = vector.broadcast %broadcast_in_dim3A_3 : i32 to vector<8x16384xi32>
    %gt3A = arith.constant -2.000000e+00 : f32
    %gt3A_5 = vector.broadcast %gt3A : f32 to vector<8x16384xf32>
    %gt3A_6 = arith.cmpf ogt, %get3A_1, %gt3A_5 : vector<8x16384xf32>
    %jit3A = arith.constant 0 : i32
    %broadcast_in_dim3A_7 = vector.broadcast %jit3A : i32 to vector<8x16384xi32>
    %select_n3A = arith.select %gt3A_6, %broadcast_in_dim3A_4, %broadcast_in_dim3A_7 : vector<8x16384xi1>, vector<8x16384xi32>
    %add3A = arith.addi %broadcast_in_dim3A_2, %select_n3A : vector<8x16384xi32>
    %gt3A_8 = arith.constant -1.500000e+00 : f32
    %gt3A_9 = vector.broadcast %gt3A_8 : f32 to vector<8x16384xf32>
    %gt3A_10 = arith.cmpf ogt, %get3A_1, %gt3A_9 : vector<8x16384xf32>
    %jit3A_11 = arith.constant 0 : i32
    %broadcast_in_dim3A_12 = vector.broadcast %jit3A_11 : i32 to vector<8x16384xi32>
    %select_n3A_13 = arith.select %gt3A_10, %broadcast_in_dim3A_4, %broadcast_in_dim3A_12 : vector<8x16384xi1>, vector<8x16384xi32>
    %add3A_14 = arith.addi %add3A, %select_n3A_13 : vector<8x16384xi32>
    %gt3A_15 = arith.constant -1.000000e+00 : f32
    %gt3A_16 = vector.broadcast %gt3A_15 : f32 to vector<8x16384xf32>
    %gt3A_17 = arith.cmpf ogt, %get3A_1, %gt3A_16 : vector<8x16384xf32>
    %jit3A_18 = arith.constant 0 : i32
    %broadcast_in_dim3A_19 = vector.broadcast %jit3A_18 : i32 to vector<8x16384xi32>
    %select_n3A_20 = arith.select %gt3A_17, %broadcast_in_dim3A_4, %broadcast_in_dim3A_19 : vector<8x16384xi1>, vector<8x16384xi32>
    %add3A_21 = arith.addi %add3A_14, %select_n3A_20 : vector<8x16384xi32>
    %gt3A_22 = arith.constant -5.000000e-01 : f32
    %gt3A_23 = vector.broadcast %gt3A_22 : f32 to vector<8x16384xf32>
    %gt3A_24 = arith.cmpf ogt, %get3A_1, %gt3A_23 : vector<8x16384xf32>
    %jit3A_25 = arith.constant 0 : i32
    %broadcast_in_dim3A_26 = vector.broadcast %jit3A_25 : i32 to vector<8x16384xi32>
    %select_n3A_27 = arith.select %gt3A_24, %broadcast_in_dim3A_4, %broadcast_in_dim3A_26 : vector<8x16384xi1>, vector<8x16384xi32>
    %add3A_28 = arith.addi %add3A_21, %select_n3A_27 : vector<8x16384xi32>
    %gt3A_29 = arith.constant 0.000000e+00 : f32
    %gt3A_30 = vector.broadcast %gt3A_29 : f32 to vector<8x16384xf32>
    %gt3A_31 = arith.cmpf ogt, %get3A_1, %gt3A_30 : vector<8x16384xf32>
    %jit3A_32 = arith.constant 0 : i32
    %broadcast_in_dim3A_33 = vector.broadcast %jit3A_32 : i32 to vector<8x16384xi32>
    %select_n3A_34 = arith.select %gt3A_31, %broadcast_in_dim3A_4, %broadcast_in_dim3A_33 : vector<8x16384xi1>, vector<8x16384xi32>
    %add3A_35 = arith.addi %add3A_28, %select_n3A_34 : vector<8x16384xi32>
    %gt3A_36 = arith.constant 5.000000e-01 : f32
    %gt3A_37 = vector.broadcast %gt3A_36 : f32 to vector<8x16384xf32>
    %gt3A_38 = arith.cmpf ogt, %get3A_1, %gt3A_37 : vector<8x16384xf32>
    %jit3A_39 = arith.constant 0 : i32
    %broadcast_in_dim3A_40 = vector.broadcast %jit3A_39 : i32 to vector<8x16384xi32>
    %select_n3A_41 = arith.select %gt3A_38, %broadcast_in_dim3A_4, %broadcast_in_dim3A_40 : vector<8x16384xi1>, vector<8x16384xi32>
    %add3A_42 = arith.addi %add3A_35, %select_n3A_41 : vector<8x16384xi32>
    %gt3A_43 = arith.constant 1.000000e+00 : f32
    %gt3A_44 = vector.broadcast %gt3A_43 : f32 to vector<8x16384xf32>
    %gt3A_45 = arith.cmpf ogt, %get3A_1, %gt3A_44 : vector<8x16384xf32>
    %jit3A_46 = arith.constant 0 : i32
    %broadcast_in_dim3A_47 = vector.broadcast %jit3A_46 : i32 to vector<8x16384xi32>
    %select_n3A_48 = arith.select %gt3A_45, %broadcast_in_dim3A_4, %broadcast_in_dim3A_47 : vector<8x16384xi1>, vector<8x16384xi32>
    %add3A_49 = arith.addi %add3A_42, %select_n3A_48 : vector<8x16384xi32>
    %gt3A_50 = arith.constant 1.500000e+00 : f32
    %gt3A_51 = vector.broadcast %gt3A_50 : f32 to vector<8x16384xf32>
    %gt3A_52 = arith.cmpf ogt, %get3A_1, %gt3A_51 : vector<8x16384xf32>
    %jit3A_53 = arith.constant 0 : i32
    %broadcast_in_dim3A_54 = vector.broadcast %jit3A_53 : i32 to vector<8x16384xi32>
    %select_n3A_55 = arith.select %gt3A_52, %broadcast_in_dim3A_4, %broadcast_in_dim3A_54 : vector<8x16384xi1>, vector<8x16384xi32>
    %add3A_56 = arith.addi %add3A_49, %select_n3A_55 : vector<8x16384xi32>
    %gt3A_57 = arith.constant 2.000000e+00 : f32
    %gt3A_58 = vector.broadcast %gt3A_57 : f32 to vector<8x16384xf32>
    %gt3A_59 = arith.cmpf ogt, %get3A_1, %gt3A_58 : vector<8x16384xf32>
    %jit3A_60 = arith.constant 0 : i32
    %broadcast_in_dim3A_61 = vector.broadcast %jit3A_60 : i32 to vector<8x16384xi32>
    %select_n3A_62 = arith.select %gt3A_59, %broadcast_in_dim3A_4, %broadcast_in_dim3A_61 : vector<8x16384xi1>, vector<8x16384xi32>
    %add3A_63 = arith.addi %add3A_56, %select_n3A_62 : vector<8x16384xi32>
    %swap3A = arith.constant 0 : index
    %swap3A_64 = arith.constant 0 : index
    %swap3A_65 = vector.load %arg2[%swap3A, %swap3A_64] : memref<8x16384xi32, #tpu.memory_space<vmem>>, vector<8x16384xi32>
    tpu.vector_store %arg2[%swap3A, %swap3A_64], %add3A_63 {strides = array<i32>} : memref<8x16384xi32, #tpu.memory_space<vmem>>, vector<8x16384xi32>,
    return
  }
  func.func @transform_0(%arg0: i32) -> (i32, i32) {
    %add3A = arith.constant 1 : i32
    %add3A_0 = arith.addi %arg0, %add3A : i32
    %c0_i32 = arith.constant 0 : i32
    %c0_i32_1 = arith.constant 0 : i32
    return %add3A_0, %c0_i32 : i32, i32
  }
  func.func @transform_1(%arg0: i32) -> (i32, i32) {
    %c0_i32 = arith.constant 0 : i32
    %c0_i32_0 = arith.constant 0 : i32
    return %arg0, %c0_i32 : i32, i32
  }
}

</mosaic_0001>

<sc_bundles>
// kernel: kernel.4.cloned.1.call-start
scs
__scs_entry_jumppad:
0x0: {  	(pc) =	sbr.rel $0x88, $3  }
0x1: {  	(tag) =	ssettag $0x0;
	lr =	simm.s32 $0x1  }
0x2: {  	[smem:$0x3FA0] =	sst lr;
	_ =	strace $0xD0000000  }
0x3: {  	_ = 	snop  }
0x4: {  	_ = 	snop  }
0x5: {  	_ = 	snop  }
0x6: {  	_ = 	snop  }
0x7: {  	_ = 	snop  }
__scs_overlays_trampoline_lowered:
0x8: {  	[smem:$0x3FAF] =	sst s0  }
0x9: {  	[smem:$0x3FB0] =	sst s1  }
0xa: {  	[smem:$0x3FB1] =	sst s2  }
0xb: {  	[smem:$0x3FB2] =	sst s3  }
0xc: {  	[smem:$0x3FB3] =	sst s4  }
0xd: {  	[smem:$0x3FB4] =	sst s5  }
0xe: {  	[smem:$0x3FB5] =	sst s6  }
0xf: {  	[smem:$0x3FB6] =	sst s7  }
0x10: {  	[smem:$0x3FB7] =	sst s8  }
0x11: {  	[smem:$0x3FB8] =	sst s9;
	s0 =	simm.s32 @!p0 $0x0  }
0x12: {  	s1 =	sld [smem:$0x3F9E];
	s0 =	simm.s32 @p0 $0x1  }
0x13: {  	[smem:$0x3FB9] =	sst s0;
	s0 =	simm.s32 @!p1 $0x0  }
0x14: {  	s2 =	sld [smem:$0x3F9D];
	s0 =	simm.s32 @p1 $0x1  }
0x15: {  	[smem:$0x3FBA] =	sst s0;
	s0 =	simm.s32 @!p2 $0x0  }
0x16: {  	s3 =	sld [smem:$0x3FDB];
	s0 =	simm.s32 @p2 $0x1  }
0x17: {  	s4 =	simm.s32 $0x1BF5;
	[smem:$0x3FBC] =	sst s0  }
0x18: {  	s0 =	sld [smem:$0x3F9F];
	_ =	swait.ge [sflag:s4], $0x0  }
0x19: {  	s7 =	sld [smem:$0x3FA0]  }
0x1a: {  	s8 =	sadd.s32 $0xFFFFE003, lr  }
0x1b: {  	s9 =	sadd.s32 $0xFFFFFEF7, lr;
	s5 =	simm.s32 $0xFFFFFFFF;
	p2 =	slt.u32 s8, $0xFFFFF086  }
0x1c: {  	p1 =	slt.u32 s9, $0xF7A;
	s5 =	simm.s32 @!p2 $0x0  }
0x1d: {  	s5 =	simm.s32 @p1 $0x1;
	p0 =	seq.s32 s7, s2  }
0x1e: {  	s7 =	smul.u32 @!p0 $0xF7A, s2;
	p2 =	seq.s32 @!p0 s5, $0x0  }
0x1f: {  	s9 =	smul.u32 $0xF7A, s1;
	s8 =	simm.s32 @!p0 $0x1BF5;
	p2 =	por !p2, p0  }
0x20: {  	[sflag:s8] =	ssyncset.s32 @!p0 $0xFFFFF086;
	s6 =	sadd.s32 @!p0 s3, s7;
	s7 =	simm.s32 @!p0 $0x108  }
0x21: {  	s3 =	sadd.s32 s3, s9;
	s6 =	sadd.s32 @!p0 $0x88, s6;
	s7 =	simm.s32 @p2 $0x1082  }
0x22: {  	[simem:s7], [sflag:s8] =	dma.local @!p0 [hbm:s6], $0xF7A  }
0x23: {  	s9 =	sor.u32 $0xD0000000, s2;
	s6 =	simm.s32 $0x108;
	_ =	swait.ge @!p0 [sflag:s8], $0x0  }
0x24: {  	s3 =	sadd.s32 $0x88, s3;
	s6 =	simm.s32 @!p1 $0x1082;
	[sflag:s4] =	ssyncset.s32 $0xFFFFF086  }
0x25: {  	[simem:s6], [sflag:s4] =	dma.local [hbm:s3], $0xF7A  }
0x26: {  	[smem:$0x3FA0] =	sst s1;
	(tag) =	ssettag s2;
	_ =	strace s9  }
0x27: {  	s1 =	sld [smem:$0x3FB0]  }
0x28: {  	s2 =	sld [smem:$0x3FB1]  }
0x29: {  	s4 =	sld [smem:$0x3FB3]  }
0x2a: {  	p0 =	seq.s32 s5, $0x0;
	s5 =	sld [smem:$0x3FB4]  }
0x2b: {  	s6 =	sld [smem:$0x3FB5]  }
0x2c: {  	s7 =	sld [smem:$0x3FB6]  }
0x2d: {  	s3 =	simm.s32 $0x108;
	s8 =	sld [smem:$0x3FB7]  }
0x2e: {  	s3 =	simm.s32 @!p0 $0x1082;
	s9 =	sld [smem:$0x3FB8]  }
0x2f: {  	lr =	sadd.s32 s0, s3;
	s0 =	sld [smem:$0x3FAF]  }
0x30: {  	s3 =	sld [smem:$0x3FB2]  }
0x31: {  	[smem:$0x3FBB] =	sst s10  }
0x32: {  	s10 =	sld [smem:$0x3FB9];
	_ =	sdelay $0x3  }
0x33: {  	p0 =	seq.s32 s10, $0x1;
	s10 =	sld [smem:$0x3FBB];
	_ =	sdelay $0x3  }
0x34: {  	[smem:$0x3FBB] =	sst s10  }
0x35: {  	s10 =	sld [smem:$0x3FBA];
	_ =	sdelay $0x3  }
0x36: {  	p1 =	seq.s32 s10, $0x1;
	s10 =	sld [smem:$0x3FBB];
	_ =	sdelay $0x3  }
0x37: {  	[smem:$0x3FBB] =	sst s10  }
0x38: {  	s10 =	sld [smem:$0x3FBC]  }
0x39: {  	_ = 	snop;
	(pc) =	sbr.ind lr, $3  }
0x3a: {  	_ = 	snop  }
0x3b: {  	_ = 	snop  }
0x3c: {  	p2 =	seq.s32 s10, $0x1;
	s10 =	sld [smem:$0x3FBB]  }
0x3d: {  	_ =	shalt  }
0x3e: {  	_ =	shalt  }
0x3f: {  	_ =	shalt  }
0x40: {  	_ =	shalt  }
0x41: {  	_ =	shalt  }
0x42: {  	_ =	shalt  }
0x43: {  	_ =	shalt  }
0x44: {  	_ =	shalt  }
0x45: {  	_ =	shalt  }
0x46: {  	_ =	shalt  }
0x47: {  	_ =	shalt  }
0x48: {  	_ =	shalt  }
0x49: {  	_ =	shalt  }
0x4a: {  	_ =	shalt  }
0x4b: {  	_ =	shalt  }
0x4c: {  	_ =	shalt  }
0x4d: {  	_ =	shalt  }
0x4e: {  	_ =	shalt  }
0x4f: {  	_ =	shalt  }
0x50: {  	_ =	shalt  }
0x51: {  	_ =	shalt  }
0x52: {  	_ =	shalt  }
0x53: {  	_ =	shalt  }
0x54: {  	_ =	shalt  }
0x55: {  	_ =	shalt  }
0x56: {  	_ =	shalt  }
0x57: {  	_ =	shalt  }
0x58: {  	_ =	shalt  }
0x59: {  	_ =	shalt  }
0x5a: {  	_ =	shalt  }
0x5b: {  	_ =	shalt  }
0x5c: {  	_ =	shalt  }
0x5d: {  	_ =	shalt  }
0x5e: {  	_ =	shalt  }
0x5f: {  	_ =	shalt  }
0x60: {  	_ =	shalt  }
0x61: {  	_ =	shalt  }
0x62: {  	_ =	shalt  }
0x63: {  	_ =	shalt  }
0x64: {  	_ =	shalt  }
0x65: {  	_ =	shalt  }
0x66: {  	_ =	shalt  }
0x67: {  	_ =	shalt  }
0x68: {  	_ =	shalt  }
0x69: {  	_ =	shalt  }
0x6a: {  	_ =	shalt  }
0x6b: {  	_ =	shalt  }
0x6c: {  	_ =	shalt  }
0x6d: {  	_ =	shalt  }
0x6e: {  	_ =	shalt  }
0x6f: {  	_ =	shalt  }
0x70: {  	_ =	shalt  }
0x71: {  	_ =	shalt  }
0x72: {  	_ =	shalt  }
0x73: {  	_ =	shalt  }
0x74: {  	_ =	shalt  }
0x75: {  	_ =	shalt  }
0x76: {  	_ =	shalt  }
0x77: {  	_ =	shalt  }
0x78: {  	_ =	shalt  }
0x79: {  	_ =	shalt  }
0x7a: {  	_ =	shalt  }
0x7b: {  	_ =	shalt  }
0x7c: {  	_ =	shalt  }
0x7d: {  	_ =	shalt  }
0x7e: {  	_ =	shalt  }
0x7f: {  	_ =	shalt  }
0x80: {  	_ =	shalt  }
0x81: {  	_ =	shalt  }
0x82: {  	_ =	shalt  }
0x83: {  	_ =	shalt  }
0x84: {  	_ =	shalt  }
0x85: {  	_ =	shalt  }
0x86: {  	_ =	shalt  }
0x87: {  	_ =	shalt  }
.Lfunc_end0:
.L_simem_size_0:
called_computation_lowered:
.L_overlay_start_0:
0x88: {  	s2 =	sld [smem:$0x3FD9]  }
0x89: {  	s3 =	sld [smem:$0x3FFE];
	_ =	sdelay $0x1  }
0x8a: {  	s1 =	srdreg.scid  }
0x8b: {  	s0 =	sand.u32 $0x1, s1  }
0x8c: {  	s17 =	sshll.u32 s0, $0xA;
	s2 =	sadd.s32 s3, s2  }
0x8d: {  	s2 =	sadd.s32 s2, s17  }
0x8e: {  	[smem:$0x3FC7] =	sst s2  }
0x8f: {  	_ = 	snop  }
0x90: {  	s2 =	sld [smem:$0x3FC9];
	(tm) =	ssettm $0x1  }
0x91: {  	s18 =	sld [smem:$0x3FFB];
	_ =	sdelay $0x3  }
0x92: {  	_ =	strace s18  }
0x93: {  	s3 =	sld [smem:$0x3FFC];
	_ =	sdelay $0x3  }
0x94: {  	_ =	strace s3  }
0x95: {  	s3 =	sld [smem:$0x3FFD];
	_ =	sdelay $0x3  }
0x96: {  	_ =	strace s3  }
0x97: {  	_ =	strace $0x8FFFFFFF  }
0x98: {  	s19 =	sld [smem:$0x3FDB];
	_ =	sdelay $0x1  }
0x99: {  	s4 =	simm.s32 $_scs_section_size  }
0x9a: {  	s5 =	simm.s32 $_size__tile_overlayer_lowered;
	s6 =	simm.s32 $_tile_overlayer_lowered  }
0x9b: {  	s22 =	simm.s32 $0x1BFF;
	s21 =	sshll.u32 s6, $0x1;
	s3 =	sadd.s32 s4, s19  }
0x9c: {  	s7 =	simm.s32 $0x0;
	s20 =	sshll.u32 s5, $0x1;
	s5 =	sadd.s32 s21, s3  }
0x9d: {  	[timem:s7], [sflag:s22] =	dma.local [hbm:s5], s20  }
0x9e: {  	_ =	swait.ge [sflag:s22], s20  }
0x9f: {  	s4 =	ssub.s32 $0x0, s20;
	[sflag:s22] =	ssyncset.done $0x0  }
0xa0: {  	[sflag:s22] =	ssyncadd.s32 s4;
	_ =	sdelay $0x1  }
0xa1: {  	s23 =	simm.s32 $0x1B8B  }
0xa2: {  	_ =	swait.ge [sflag:s23], $0x1  }
0xa3: {  	[sflag:s23] =	ssyncset.done $0x0  }
0xa4: {  	s25 =	simm.s32 $0x1B8E;
	s24 =	sld [smem:$0x3FFE];
	[sflag:s23] =	ssyncadd.s32 $0xFFFFFFFF  }
0xa5: {  	s26 =	simm.s32 $execute0_lowered;
	[smem:$0x3FD2] =	sst s25  }
0xa6: {  	s5 =	sshll.u32 s26, $0x1;
	_ =	strace $0x80000046;
	[dreg:$0x1] =	wrdreg $0xFFFFFFFF  }
0xa7: {  	s28 =	simm.s32 $_size_execute0_lowered;
	s3 =	sadd.s32 s3, s5;
	[dreg:$0x0] =	wrdreg $0x0  }
0xa8: {  	s5 =	sshll.u32 s28, $0x1;
	[dreg:$0x2] =	wrdreg s3  }
0xa9: {  	[dreg:$0x3] =	wrdreg s5  }
0xaa: {  	[dreg:$0x4] =	wrdreg $0xC0  }
0xab: {  	_ =	task [dreg:s7], $0x5FFFF  }
0xac: {  	[dreg:$0x1] =	wrdreg $0xFFFFFFFF  }
0xad: {  	[dreg:$0x0] =	wrdreg $0x60  }
0xae: {  	[dreg:$0x2] =	wrdreg s2  }
0xaf: {  	[dreg:$0x3] =	wrdreg s24  }
0xb0: {  	[dreg:$0x4] =	wrdreg $0x9  }
0xb1: {  	_ =	task.clear_ibuf [dreg:s7], $0x5FFFF;
	_ =	strace $0x90000046  }
0xb2: {  	s29 =	simm.s32 $0x9;
	_ =	strace $0x80000048  }
0xb3: {  	_ =	swait.ge [sflag:s29], $0x1  }
0xb4: {  	[sflag:s29] =	ssyncadd.s32 $0xFFFFFFFF  }
0xb5: {  	_ =	strace $0x90000048  }
0xb6: {  	_ =	sfence  }
0xb7: {  	s30 =	sld [smem:$0x0];
	_ =	sdelay $0x2  }
0xb8: {  	s31 =	sshll.u32 s1, $0xD;
	s1 =	sshrl.u32 s1, $0x2  }
0xb9: {  	s3 =	sand.u32 $0x4000, s31;
	s1 =	sadd.s32 s1, s30  }
0xba: {  	s0 =	sor.u32 s3, s0;
	s1 =	sshll.u32 s1, $0x11  }
0xbb: {  	s0 =	sor.u32 s1, s0  }
0xbc: {  	s0 =	sadd.s32 $0x8F2B, s0  }
0xbd: {  	[sflag:s0] =	ssyncadd.remote.s32 $0x1  }
0xbe: {  	_ =	sfence.sel $0xFFFF  }
0xbf: {  	[dreg:$0x0] =	wrdreg $0xFFFFFFFF;
	(pc) =	sbr.abs _section_cstart, $3  }
0xc0: {  	[dreg:$0x1] =	wrdreg $0xFFFFFFFF  }
0xc1: {  	_ =	task.clear_ibuf [dreg:s7], $0x2FFFF;
	_ =	strace $0x9FFFFFFF  }
0xc2: {  	(tm) =	ssettm $0x7FFFFFFF  }
0xc3: {  	_ =	shalt  }
tec
execute0_lowered:
.L_overlay_start_1:
0x0: {  	(tag) =	ssettag $0x1  }
0x1: {  	s0 =	stileid.u32;
	s3 =	rddreg [dreg:$0x0]  }
0x2: {  	s1 =	srdreg.scid;
	s4 =	rddreg [dreg:$0x1]  }
0x3: {  	s8 =	simm.s32 $0x1;
	s9 =	simm.s32 $0x1000;
	s10 =	simm.s32 $0x0  }
0x4: {  	s2 =	sshll.u32 s0, $0x1;
	s5 =	sand.u32 $0x1, s1;
	s7 =	sshll.u32 s0, $0x3  }
0x5: {  	s1 =	rddreg [dreg:$0x2];
	s2 =	sand.u32 $0x2, s2;
	s7 =	sand.u32 $0x70, s7  }
0x6: {  	s6 =	sor.u32 s5, s2;
	s2 =	simm.s32 $0x0;
	s5 =	ssub.s32 $0x2, s5  }
0x7: {  	s6 =	sshll.u32 s6, $0xC;
	[smem:$0x7FF] =	sst s2;
	s31 =	sshrl.u32 s5, $0x1  }
0x8: {  	s6 =	sor.u32 s7, s6;
	_ =	strace $0x80000047;
	s5 =	ssub.s32 s5, s31  }
0x9: {  	s7 =	simm.s32 $0x400;
	s4 =	sadd.s32 s6, s4;
	s3 =	sadd.s32 s3, s6  }
0xa: {  	v0 =	vimm.s32 $0x0;
	s5 =	smax.u32 s5, $0x1;
	s6 =	simm.s32 $0x80;
	s4 =	sadd.s32 $0x600, s4  }
.LBB2_1:
0xb: {  	[tilespmem:s2], [sflag:$0x1] =	stream.strided.gather [hbm4b:s3+s6], $0x1000, s7, s6, $0x38;
	[tilespmem:$0x2000] =	vst v63  }
0xc: {  	_ =	swait.ge [sflag:s8], $0x1000  }
0xd: {  	[sflag:s8] =	ssyncset.done $0x0  }
0xe: {  	s11 =	simm.s32 $0x20;
	[sflag:s8] =	ssyncadd.s32 $0xFFFFF000  }
0xf: {  	v4 =	vld [tilespmem:s11+$0x10];
	_ =	sdelay $0x4  }
0x10: {  	vm0 =	vgt.f32 v4, $-2.000000000e+00;
	vm1 =	vgt.f32 v4, $-1.500000000e+00  }
0x11: {  	v1 =	vsel vm0, $0x1, v0;
	v2 =	vsel vm1, $0x1, v0;
	vm0 =	vgt.f32 v4, $-1.000000000e+00  }
0x12: {  	v1 =	vadd.s32 v2, v1;
	v2 =	vsel vm0, $0x1, v0;
	vm0 =	vgt.f32 v4, $-5.000000000e-01  }
0x13: {  	v3 =	vld [tilespmem:s11+$0xFFFFFFE0];
	v2 =	vadd.s32 v2, v1;
	v5 =	vsel vm0, $0x1, v0;
	vm0 =	vgt.f32 v4, $0.0e+00  }
0x14: {  	v1 =	vld [tilespmem:s11+$0xFFFFFFF0];
	v5 =	vadd.s32 v5, v2;
	v6 =	vsel vm0, $0x1, v0;
	vm0 =	vgt.f32 v4, $5.000000000e-01  }
0x15: {  	v2 =	vld [tilespmem:s11+$0x0];
	v5 =	vadd.s32 v6, v5;
	v6 =	vsel vm0, $0x1, v0;
	vm0 =	vgt.f32 v4, $1.000000000e+00  }
0x16: {  	v5 =	vadd.s32 v6, v5;
	v6 =	vsel vm0, $0x1, v0;
	vm0 =	vgt.f32 v4, $1.500000000e+00  }
0x17: {  	v5 =	vadd.s32 v6, v5;
	v6 =	vsel vm0, $0x1, v0;
	vm0 =	vgt.f32 v4, $2.000000000e+00  }
0x18: {  	vm1 =	vgt.f32 v3, $-2.000000000e+00;
	v4 =	vadd.s32 v6, v5;
	v5 =	vsel vm0, $0x1, v0  }
0x19: {  	vm0 =	vgt.f32 v3, $-1.500000000e+00;
	vm2 =	vgt.f32 v1, $-2.000000000e+00;
	vm3 =	vgt.f32 v1, $-1.500000000e+00  }
0x1a: {  	v4 =	vadd.s32 v5, v4;
	vm4 =	vgt.f32 v2, $-2.000000000e+00;
	vm5 =	vgt.f32 v2, $-1.500000000e+00  }
0x1b: {  	v5 =	vsel vm1, $0x1, v0;
	v6 =	vsel vm0, $0x1, v0;
	v7 =	vsel vm2, $0x1, v0  }
0x1c: {  	v8 =	vsel vm3, $0x1, v0;
	vm0 =	vgt.f32 v3, $-1.000000000e+00;
	vm1 =	vgt.f32 v1, $-1.000000000e+00  }
0x1d: {  	vm2 =	vgt.f32 v2, $-1.000000000e+00;
	v9 =	vsel vm4, $0x1, v0;
	v10 =	vsel vm5, $0x1, v0  }
0x1e: {  	v5 =	vadd.s32 v6, v5;
	v6 =	vadd.s32 v8, v7;
	v8 =	vsel vm0, $0x1, v0  }
0x1f: {  	v54 =	vsel vm1, $0x1, v0;
	v55 =	vsel vm2, $0x1, v0;
	vm0 =	vgt.f32 v3, $-5.000000000e-01  }
0x20: {  	vm1 =	vgt.f32 v1, $-5.000000000e-01;
	vm2 =	vgt.f32 v2, $-5.000000000e-01;
	v7 =	vadd.s32 v10, v9  }
0x21: {  	v5 =	vadd.s32 v8, v5;
	v6 =	vadd.s32 v54, v6;
	v8 =	vsel vm0, $0x1, v0  }
0x22: {  	v56 =	vsel vm1, $0x1, v0;
	v57 =	vsel vm2, $0x1, v0;
	vm0 =	vgt.f32 v3, $0.0e+00  }
0x23: {  	vm1 =	vgt.f32 v1, $0.0e+00;
	vm2 =	vgt.f32 v2, $0.0e+00;
	v7 =	vadd.s32 v55, v7  }
0x24: {  	v5 =	vadd.s32 v8, v5;
	v6 =	vadd.s32 v56, v6;
	v8 =	vsel vm0, $0x1, v0  }
0x25: {  	v58 =	vsel vm1, $0x1, v0;
	v59 =	vsel vm2, $0x1, v0;
	vm0 =	vgt.f32 v3, $5.000000000e-01  }
0x26: {  	vm1 =	vgt.f32 v1, $5.000000000e-01;
	vm2 =	vgt.f32 v2, $5.000000000e-01;
	v7 =	vadd.s32 v57, v7  }
0x27: {  	v5 =	vadd.s32 v8, v5;
	v6 =	vadd.s32 v58, v6;
	v8 =	vsel vm0, $0x1, v0  }
0x28: {  	v60 =	vsel vm1, $0x1, v0;
	v61 =	vsel vm2, $0x1, v0;
	vm0 =	vgt.f32 v3, $1.000000000e+00  }
0x29: {  	vm1 =	vgt.f32 v1, $1.000000000e+00;
	vm2 =	vgt.f32 v2, $1.000000000e+00;
	v7 =	vadd.s32 v59, v7  }
0x2a: {  	v5 =	vadd.s32 v8, v5;
	v8 =	vadd.s32 v60, v6;
	v6 =	vsel vm0, $0x1, v0  }
0x2b: {  	v62 =	vsel vm1, $0x1, v0;
	v63 =	vsel vm2, $0x1, v0;
	vm0 =	vgt.f32 v3, $1.500000000e+00  }
0x2c: {  	s11 =	simm.s32 $0x1020;
	vm1 =	vgt.f32 v1, $1.500000000e+00;
	vm2 =	vgt.f32 v2, $1.500000000e+00;
	v7 =	vadd.s32 v61, v7  }
0x2d: {  	s12 =	simm.s32 $0x0;
	s13 =	simm.s32 $0x60;
	[tilespmem:s11+$0x10] =	vst v4;
	v6 =	vadd.s32 v6, v5;
	v5 =	vadd.s32 v62, v8;
	v4 =	vadd.s32 v63, v7  }
.LBB2_2:
0x2e: {  	v7 =	vld [tilespmem:s13+$0x10];
	s12 =	sadd.s32 $0x4, s12;
	v8 =	vsel vm0, $0x1, v0;
	v9 =	vsel vm1, $0x1, v0;
	v10 =	vsel vm2, $0x1, v0  }
0x2f: {  	vm0 =	vgt.f32 v3, $2.000000000e+00;
	vm1 =	vgt.f32 v1, $2.000000000e+00;
	vm2 =	vgt.f32 v2, $2.000000000e+00;
	p0 =	slt.u32 s12, $0xFC;
	v1 =	vld [tilespmem:s13+$0xFFFFFFF0]  }
0x30: {  	v6 =	vadd.s32 v8, v6;
	v5 =	vadd.s32 v9, v5;
	v4 =	vadd.s32 v10, v4;
	v2 =	vld [tilespmem:s13+$0x0]  }
0x31: {  	v8 =	vsel vm0, $0x1, v0;
	v9 =	vsel vm1, $0x1, v0;
	v10 =	vsel vm2, $0x1, v0;
	v3 =	vld [tilespmem:s13+$0xFFFFFFE0]  }
0x32: {  	v6 =	vadd.s32 v8, v6;
	v5 =	vadd.s32 v9, v5;
	v4 =	vadd.s32 v10, v4  }
0x33: {  	vm0 =	vgt.f32 v7, $-2.000000000e+00;
	vm1 =	vgt.f32 v7, $-1.500000000e+00;
	[tilespmem:s11+$0xFFFFFFE0] =	vst v6  }
0x34: {  	v6 =	vsel vm0, $0x1, v0;
	v8 =	vsel vm1, $0x1, v0;
	vm0 =	vgt.f32 v7, $-1.000000000e+00;
	[tilespmem:s11+$0xFFFFFFF0] =	vst v5  }
0x35: {  	v5 =	vadd.s32 v8, v6;
	v6 =	vsel vm0, $0x1, v0;
	vm0 =	vgt.f32 v7, $-5.000000000e-01;
	[tilespmem:s11+$0x0] =	vst v4  }
0x36: {  	v4 =	vadd.s32 v6, v5;
	v5 =	vsel vm0, $0x1, v0;
	vm0 =	vgt.f32 v7, $0.0e+00  }
0x37: {  	v4 =	vadd.s32 v5, v4;
	v5 =	vsel vm0, $0x1, v0;
	vm0 =	vgt.f32 v7, $5.000000000e-01  }
0x38: {  	v4 =	vadd.s32 v5, v4;
	v5 =	vsel vm0, $0x1, v0;
	vm0 =	vgt.f32 v7, $1.000000000e+00  }
0x39: {  	v4 =	vadd.s32 v5, v4;
	v5 =	vsel vm0, $0x1, v0;
	vm0 =	vgt.f32 v7, $1.500000000e+00  }
0x3a: {  	v4 =	vadd.s32 v5, v4;
	v5 =	vsel vm0, $0x1, v0;
	vm0 =	vgt.f32 v7, $2.000000000e+00  }
0x3b: {  	vm1 =	vgt.f32 v3, $-2.000000000e+00;
	v4 =	vadd.s32 v5, v4;
	v5 =	vsel vm0, $0x1, v0  }
0x3c: {  	vm2 =	vgt.f32 v1, $-2.000000000e+00;
	s11 =	sadd.s32 $0x40, s11;
	vm0 =	vgt.f32 v3, $-1.500000000e+00;
	v4 =	vadd.s32 v5, v4  }
0x3d: {  	vm3 =	vgt.f32 v1, $-1.500000000e+00;
	vm4 =	vgt.f32 v2, $-2.000000000e+00;
	vm5 =	vgt.f32 v2, $-1.500000000e+00;
	[tilespmem:s11+$0x10] =	vst v4  }
0x3e: {  	v6 =	vsel vm2, $0x1, v0;
	v5 =	vsel vm0, $0x1, v0;
	v4 =	vsel vm1, $0x1, v0  }
0x3f: {  	v8 =	vsel vm4, $0x1, v0;
	v9 =	vsel vm5, $0x1, v0;
	v7 =	vsel vm3, $0x1, v0  }
0x40: {  	vm2 =	vgt.f32 v2, $-1.000000000e+00;
	vm0 =	vgt.f32 v3, $-1.000000000e+00;
	vm1 =	vgt.f32 v1, $-1.000000000e+00  }
0x41: {  	v4 =	vadd.s32 v5, v4;
	v5 =	vadd.s32 v7, v6;
	v6 =	vadd.s32 v9, v8  }
0x42: {  	v7 =	vsel vm0, $0x1, v0;
	v8 =	vsel vm1, $0x1, v0;
	v9 =	vsel vm2, $0x1, v0  }
0x43: {  	vm0 =	vgt.f32 v3, $-5.000000000e-01;
	vm1 =	vgt.f32 v1, $-5.000000000e-01;
	vm2 =	vgt.f32 v2, $-5.000000000e-01  }
0x44: {  	v4 =	vadd.s32 v7, v4;
	v5 =	vadd.s32 v8, v5;
	v6 =	vadd.s32 v9, v6  }
0x45: {  	v7 =	vsel vm0, $0x1, v0;
	v8 =	vsel vm1, $0x1, v0;
	v9 =	vsel vm2, $0x1, v0  }
0x46: {  	vm0 =	vgt.f32 v3, $0.0e+00;
	vm1 =	vgt.f32 v1, $0.0e+00;
	vm2 =	vgt.f32 v2, $0.0e+00  }
0x47: {  	v4 =	vadd.s32 v7, v4;
	v5 =	vadd.s32 v8, v5;
	v6 =	vadd.s32 v9, v6  }
0x48: {  	v7 =	vsel vm0, $0x1, v0;
	v8 =	vsel vm1, $0x1, v0;
	v9 =	vsel vm2, $0x1, v0  }
0x49: {  	vm0 =	vgt.f32 v3, $5.000000000e-01;
	vm1 =	vgt.f32 v1, $5.000000000e-01;
	vm2 =	vgt.f32 v2, $5.000000000e-01  }
0x4a: {  	v4 =	vadd.s32 v7, v4;
	v5 =	vadd.s32 v8, v5;
	v6 =	vadd.s32 v9, v6  }
0x4b: {  	v7 =	vsel vm0, $0x1, v0;
	v8 =	vsel vm1, $0x1, v0;
	v9 =	vsel vm2, $0x1, v0  }
.Ltmp0:
0x4c: {  	vm0 =	vgt.f32 v3, $1.000000000e+00;
	vm1 =	vgt.f32 v1, $1.000000000e+00;
	vm2 =	vgt.f32 v2, $1.000000000e+00;
	(pc) =	sbr.rel @p0 .LBB2_2-.Ltmp0, $4  }
0x4d: {  	v4 =	vadd.s32 v7, v4;
	v5 =	vadd.s32 v8, v5;
	v7 =	vadd.s32 v9, v6  }
0x4e: {  	v6 =	vsel vm0, $0x1, v0;
	v8 =	vsel vm1, $0x1, v0;
	v9 =	vsel vm2, $0x1, v0  }
0x4f: {  	vm0 =	vgt.f32 v3, $1.500000000e+00;
	vm1 =	vgt.f32 v1, $1.500000000e+00;
	vm2 =	vgt.f32 v2, $1.500000000e+00  }
0x50: {  	s13 =	sadd.s32 $0x40, s13;
	v6 =	vadd.s32 v6, v4;
	v5 =	vadd.s32 v8, v5;
	v4 =	vadd.s32 v9, v7  }
0x51: {  	v7 =	vsel vm0, $0x1, v0;
	v8 =	vsel vm1, $0x1, v0  }
0x52: {  	v9 =	vsel vm2, $0x1, v0;
	vm13 =	vgt.f32 v3, $2.000000000e+00;
	vm14 =	vgt.f32 v1, $2.000000000e+00  }
0x53: {  	vm15 =	vgt.f32 v2, $2.000000000e+00;
	v1 =	vadd.s32 v7, v6;
	v2 =	vsel vm13, $0x1, v0  }
0x54: {  	v3 =	vadd.s32 v8, v5;
	v62 =	vsel vm14, $0x1, v0;
	v1 =	vadd.s32 v2, v1  }
0x55: {  	s10 =	sadd.s32 $0x1, s10;
	v63 =	vsel vm15, $0x1, v0;
	v2 =	vadd.s32 v9, v4;
	v3 =	vadd.s32 v62, v3;
	[tilespmem:s11+$0xFFFFFFE0] =	vst v1  }
0x56: {  	p0 =	sne.s32 s10, s5;
	v1 =	vadd.s32 v63, v2;
	[tilespmem:s11+$0xFFFFFFF0] =	vst v3  }
.Ltmp1:
0x57: {  	[tilespmem:s11+$0x0] =	vst v1;
	(pc) =	sbr.rel @p0 .LBB2_1-.Ltmp1, $4  }
0x58: {  	[hbm4b:s4+s6] =	stream.strided.scatter [tilespmem:s9], [sflag:$0x1], $0x1000, s7, s6, $0x38;
	[tilespmem:$0x2000] =	vst v63  }
0x59: {  	_ =	swait.ge [sflag:s8], $0x1000  }
0x5a: {  	[sflag:s8] =	ssyncset.done $0x0  }
0x5b: {  	[sflag:s8] =	ssyncadd.s32 $0xFFFFF000  }
0x5c: {  	_ =	sfence.sel $0x180000  }
0x5d: {  	[bflag:$0x0] =	sbarrier.arrive $0xFFFF  }
0x5e: {  	p0 =	sne.s32 s0, $0x0;
	_ =	strace $0x90000047  }
0x5f: {  	s0 =	sadd.s32 @!p0 $0x100000, s1;
	[bflag:$0x2] =	sbarrier.arrive $0xFFFF  }
0x60: {  	[sflag:s0] =	ssyncadd.tile.s32 @!p0 $0x1;
	_ =	shalt  }
.Lfunc_end2:
_tile_overlayer_lowered:
.L_overlay_start_2:
0x61: {  	(tag) =	ssettag $0x2  }
0x62: {  	s0 =	rddreg [dreg:$0x0];
	s2 =	stileid.u32  }
0x63: {  	s1 =	rddreg [dreg:$0x1];
	p0 =	sne.s32 s2, $0x0  }
0x64: {  	s3 =	rddreg [dreg:$0x2];
	[bflag:$0x3] =	sbarrier.arrive $0xFFFF;
	s2 =	simm.s32 @!p0 $0x1C01  }
0x65: {  	[timem:s3], [sflag:s2] =	dma.local @!p0 [hbm:s0], s1  }
0x66: {  	s0 =	simm.s32 @!p0 $0x1  }
0x67: {  	_ =	swait.ge @!p0 [sflag:s0], s1  }
0x68: {  	s1 =	ssub.s32 @!p0 $0x0, s1;
	[sflag:s0] =	ssyncset.done @!p0 $0x0  }
0x69: {  	[sflag:s0] =	ssyncadd.s32 @!p0 s1  }
0x6a: {  	[bflag:$0x3] =	sbarrier.arrive $0xFFFF  }
0x6b: {  	_ =	shalt  }

</sc_bundles>
